<compile_context>
chip_gen: v7x
topology: tpu7x:2x2x1
jax: 0.10.2.dev20260603
libtpu: 0.0.44.dev20260713+nightly
codegen_flags: <defaults>
</compile_context>

<pallas_src>
import functools

import jax
import jax.numpy as jnp
from jax import lax
from jax.experimental import pallas as pl
from jax.experimental.pallas import tpu as pltpu
from jax.experimental.pallas import tpu_sc as plsc

_TBL_W = 16
_NCHUNK = 4


def _sc_gather(table, idx):
    V, D = table.shape
    B = idx.shape[0]
    info = plsc.get_sparse_core_info()
    nw = 1 * info.num_subcores
    b_per_w = B // nw
    cs = b_per_w // _NCHUNK
    mesh = plsc.VectorSubcoreMesh(core_axis_name="c", subcore_axis_name="s",
                                  num_cores=1)

    @functools.partial(
        pl.kernel,
        mesh=mesh,
        compiler_params=pltpu.CompilerParams(use_tc_tiling_on_sc=False),
        out_type=jax.ShapeDtypeStruct((B, D), jnp.float32),
        scratch_types=[
            pltpu.VMEM((b_per_w,), jnp.int32),
            pltpu.VMEM((b_per_w, D), jnp.float32),
            [pltpu.SemaphoreType.DMA] * _NCHUNK,
            [pltpu.SemaphoreType.DMA] * _NCHUNK,
        ],
    )
    def gather_kernel(table_hbm, idx_hbm, out_hbm, idx_v, rows_v,
                      gsems, osems):
        wid = lax.axis_index("s")
        base = wid * b_per_w
        pltpu.sync_copy(idx_hbm.at[pl.ds(base, b_per_w)], idx_v)
        gathers = []
        for c in range(_NCHUNK):
            gathers.append(pltpu.async_copy(
                table_hbm.at[idx_v.at[pl.ds(c * cs, cs)]],
                rows_v.at[pl.ds(c * cs, cs)], gsems[c]))
        writes = []
        for c in range(_NCHUNK):
            gathers[c].wait()
            writes.append(pltpu.async_copy(
                rows_v.at[pl.ds(c * cs, cs)],
                out_hbm.at[pl.ds(base + c * cs, cs)], osems[c]))
        for w in writes:
            w.wait()

    return gather_kernel(table, idx)


def _tc_mlp(g, ig, W1, b1, W2, b2, W3, b3):
    B = g.shape[0]
    blk = 8192
    grid = (B // blk,)

    def body(g_ref, ig_ref, w1_ref, b1_ref, w2_ref, b2_ref, w3_ref,
             b3_ref, out_ref):
        bf = jnp.bfloat16
        x = g_ref[...]
        w1 = w1_ref[...]
        emb = x[:, 2:10].astype(bf)
        dn = (((1,), (1,)), ((), ()))
        h = lax.dot_general(emb, w1[:, :8].astype(bf), dn,
                            preferred_element_type=jnp.float32)
        h = h + ig_ref[...] * w1[:, 8][None, :] + b1_ref[...]
        h = jnp.maximum(h, 0.0)
        h = lax.dot_general(h.astype(bf), w2_ref[...].astype(bf), dn,
                            preferred_element_type=jnp.float32)
        h = jnp.maximum(h + b2_ref[...], 0.0)
        res = lax.dot_general(h.astype(bf), w3_ref[...].astype(bf), dn,
                              preferred_element_type=jnp.float32)
        out_ref[...] = x[:, 0:2] + res + b3_ref[...]

    full = lambda shape: pl.BlockSpec(shape, lambda i: (0, 0))
    return pl.pallas_call(
        body,
        grid=grid,
        in_specs=[
            pl.BlockSpec((blk, _TBL_W), lambda i: (i, 0)),
            pl.BlockSpec((blk, 1), lambda i: (i, 0)),
            full((32, 9)),
            full((1, 32)),
            full((16, 32)),
            full((1, 16)),
            full((2, 16)),
            full((1, 2)),
        ],
        out_specs=pl.BlockSpec((blk, 2), lambda i: (i, 0)),
        out_shape=jax.ShapeDtypeStruct((B, 2), jnp.float32),
    )(g, ig, W1, b1, W2, b2, W3, b3)


def kernel(action_idx, is_ground, physics_params, action_emb,
           W1, b1, W2, b2, W3, b3, gravity):
    B = action_idx.shape[0]
    V = physics_params.shape[0]
    idx = action_idx.astype(jnp.int32)
    table = jnp.concatenate(
        [physics_params[:, :2], action_emb,
         jnp.zeros((V, _TBL_W - 10), jnp.float32)], axis=1)
    g = _sc_gather(table, idx)
    out = _tc_mlp(g, is_ground.reshape(B, 1), W1, b1.reshape(1, 32),
                  W2, b2.reshape(1, 16), W3, b3.reshape(1, 2))
    return (out, gravity)

# --- scband reference (transcript-rebuilt; emitter-appended) ---
"""Pipeline reference for scband-legacy-physics-net-11845519802574 (READ-ONLY COPY).

The authoritative reference and input builder live on the scoring server;
editing this copy changes nothing except your own understanding.
"""

import jax, jax.numpy as jnp
import numpy as np

NUM_ACTIONS = 1000
BATCH = 16384


def setup_inputs(seed: int = 0) -> dict:
    key = jax.random.key(seed)
    ks = jax.random.split(key, 12)
    action_idx = jax.random.randint(ks[0], (BATCH,), 0, NUM_ACTIONS, dtype=jnp.int64 if jax.config.jax_enable_x64 else jnp.int32)
    is_ground = jax.random.uniform(ks[1], (BATCH,), dtype=jnp.float32)
    physics_params = jax.random.normal(ks[2], (NUM_ACTIONS, 3), dtype=jnp.float32)
    action_emb = jax.random.normal(ks[3], (NUM_ACTIONS, 8), dtype=jnp.float32)
    # residual_net: Linear(9->32), ReLU, Linear(32->16), ReLU, Linear(16->2)
    W1 = jax.random.normal(ks[4], (32, 9), dtype=jnp.float32) * (1.0 / np.sqrt(9))
    b1 = jnp.zeros((32,), dtype=jnp.float32)
    W2 = jax.random.normal(ks[5], (16, 32), dtype=jnp.float32) * (1.0 / np.sqrt(32))
    b2 = jnp.zeros((16,), dtype=jnp.float32)
    W3 = jax.random.normal(ks[6], (2, 16), dtype=jnp.float32) * (1.0 / np.sqrt(16))
    b3 = jnp.zeros((2,), dtype=jnp.float32)
    gravity = jnp.array([5.0], dtype=jnp.float32)
    return {
        "action_idx": action_idx,
        "is_ground": is_ground,
        "physics_params": physics_params,
        "action_emb": action_emb,
        "W1": W1, "b1": b1,
        "W2": W2, "b2": b2,
        "W3": W3, "b3": b3,
        "gravity": gravity,
    }


def reference(action_idx, is_ground, physics_params, action_emb, W1, b1, W2, b2, W3, b3, gravity):
    params = jnp.take(physics_params, action_idx, axis=0)        # [B, 3] embedding gather
    base_vel = params[:, :2]                                     # [B, 2]
    act_vec = jnp.take(action_emb, action_idx, axis=0)           # [B, 8] embedding gather
    ig = is_ground
    if ig.ndim == 1:
        ig = ig[:, None]
    res_input = jnp.concatenate([act_vec, ig], axis=1)           # [B, 9]
    h = jax.nn.relu(res_input @ W1.T + b1)
    h = jax.nn.relu(h @ W2.T + b2)
    residual = h @ W3.T + b3                                     # [B, 2]
    return (base_vel + residual, gravity)

if __name__ == "__main__":
    import jax
    _d = setup_inputs()
    print(jax.jit(kernel)(*tuple(_d.values())))

</pallas_src>

<mosaic_0001>
#map = affine_map<(d0, d1) -> (0, 0)>
#map1 = affine_map<(d0, d1) -> (0)>
module attributes {stable_mosaic.version = 14 : i64} {
  func.func @gather_kernel(%arg0: i32, %arg1: i32, %arg2: memref<1000x16xf32, #tpu.memory_space<hbm>>, %arg3: memref<16384xi32, #tpu.memory_space<hbm>>, %arg4: memref<16384x16xf32, #tpu.memory_space<hbm>>, %arg5: memref<1024xi32, #tpu.memory_space<vmem>>, %arg6: memref<1024x16xf32, #tpu.memory_space<vmem>>, %arg7: memref<!tpu.dma_semaphore, #tpu.memory_space<semaphore_mem>>, %arg8: memref<!tpu.dma_semaphore, #tpu.memory_space<semaphore_mem>>, %arg9: memref<!tpu.dma_semaphore, #tpu.memory_space<semaphore_mem>>, %arg10: memref<!tpu.dma_semaphore, #tpu.memory_space<semaphore_mem>>, %arg11: memref<!tpu.dma_semaphore, #tpu.memory_space<semaphore_mem>>, %arg12: memref<!tpu.dma_semaphore, #tpu.memory_space<semaphore_mem>>, %arg13: memref<!tpu.dma_semaphore, #tpu.memory_space<semaphore_mem>>, %arg14: memref<!tpu.dma_semaphore, #tpu.memory_space<semaphore_mem>>) attributes {dimension_semantics = [#tpu.dimension_semantics<core_parallel>, #tpu.dimension_semantics<subcore_parallel>], iteration_bounds = array<i64: 1, 16>, scalar_prefetch = 0 : i64, scratch_operands = 10 : i64, tpu.core_type = #tpu.core_type<sc_vector_subcore>, window_params = [{transform_indices = #map}, {transform_indices = #map1}, {transform_indices = #map}]} {
    %mul3A = arith.constant 1024 : i32
    %mul3A_0 = arith.muli %arg1, %mul3A : i32
    "tpu.region"() ({
      %run_scoped3A = tpu.sem_alloc : memref<!tpu.dma_semaphore, #tpu.memory_space<semaphore_mem>>
      %dma_start3A_150 = tpu.memref_slice %arg3[%mul3A_0] : memref<16384xi32, #tpu.memory_space<hbm>> -> memref<1024xi32, #tpu.memory_space<hbm>>
      %dma_start3A_151 = tpu.memref_slice %arg3[%mul3A_0] : memref<16384xi32, #tpu.memory_space<hbm>> -> memref<1024xi32, #tpu.memory_space<hbm>>
      tpu.enqueue_dma source(%dma_start3A_151 : memref<1024xi32, #tpu.memory_space<hbm>>) target(%arg5 : memref<1024xi32, #tpu.memory_space<vmem>>) target_semaphore(%run_scoped3A : memref<!tpu.dma_semaphore, #tpu.memory_space<semaphore_mem>>)
      %dma_wait3A_152 = tpu.memref_slice %arg3[%mul3A_0] : memref<16384xi32, #tpu.memory_space<hbm>> -> memref<1024xi32, #tpu.memory_space<hbm>>
      %dma_wait3A_153 = tpu.memref_slice %arg3[%mul3A_0] : memref<16384xi32, #tpu.memory_space<hbm>> -> memref<1024xi32, #tpu.memory_space<hbm>>
      tpu.wait_dma2 semaphore(%run_scoped3A : memref<!tpu.dma_semaphore, #tpu.memory_space<semaphore_mem>>) src(%dma_wait3A_153 : memref<1024xi32, #tpu.memory_space<hbm>>) dst(%arg5 : memref<1024xi32, #tpu.memory_space<vmem>>)
      tpu.yield
    }) : () -> ()
    %dma_start3A = arith.constant 0 : i32
    %dma_start3A_1 = arith.constant 0 : i32
    %dma_start3A_2 = tpu.memref_slice %arg6[%dma_start3A, %dma_start3A_1] : memref<1024x16xf32, #tpu.memory_space<vmem>> -> memref<256x16xf32, #tpu.memory_space<vmem>>
    %dma_start3A_3 = arith.constant 0 : i32
    %dma_start3A_4 = tpu.memref_slice %arg5[%dma_start3A_3] : memref<1024xi32, #tpu.memory_space<vmem>> -> memref<256xi32, #tpu.memory_space<vmem>>
    %dma_start3A_5 = arith.constant 0 : i32
    %dma_start3A_6 = arith.constant 0 : i32
    %dma_start3A_7 = tpu.memref_slice %arg2[%dma_start3A_5, %dma_start3A_6] : memref<1000x16xf32, #tpu.memory_space<hbm>> -> memref<1000x16xf32, #tpu.memory_space<hbm>>
    tpu.enqueue_indirect_dma source(%dma_start3A_7 : memref<1000x16xf32, #tpu.memory_space<hbm>>) target(%dma_start3A_2 : memref<256x16xf32, #tpu.memory_space<vmem>>) offsets(%dma_start3A_4 : memref<256xi32, #tpu.memory_space<vmem>>) semaphore(%arg7 : memref<!tpu.dma_semaphore, #tpu.memory_space<semaphore_mem>>)
    %dma_start3A_8 = arith.constant 256 : i32
    %dma_start3A_9 = arith.constant 0 : i32
    %dma_start3A_10 = tpu.memref_slice %arg6[%dma_start3A_8, %dma_start3A_9] : memref<1024x16xf32, #tpu.memory_space<vmem>> -> memref<256x16xf32, #tpu.memory_space<vmem>>
    %dma_start3A_11 = arith.constant 256 : i32
    %dma_start3A_12 = tpu.memref_slice %arg5[%dma_start3A_11] : memref<1024xi32, #tpu.memory_space<vmem>> -> memref<256xi32, #tpu.memory_space<vmem>>
    %dma_start3A_13 = arith.constant 0 : i32
    %dma_start3A_14 = arith.constant 0 : i32
    %dma_start3A_15 = tpu.memref_slice %arg2[%dma_start3A_13, %dma_start3A_14] : memref<1000x16xf32, #tpu.memory_space<hbm>> -> memref<1000x16xf32, #tpu.memory_space<hbm>>
    tpu.enqueue_indirect_dma source(%dma_start3A_15 : memref<1000x16xf32, #tpu.memory_space<hbm>>) target(%dma_start3A_10 : memref<256x16xf32, #tpu.memory_space<vmem>>) offsets(%dma_start3A_12 : memref<256xi32, #tpu.memory_space<vmem>>) semaphore(%arg8 : memref<!tpu.dma_semaphore, #tpu.memory_space<semaphore_mem>>)
    %dma_start3A_16 = arith.constant 512 : i32
    %dma_start3A_17 = arith.constant 0 : i32
    %dma_start3A_18 = tpu.memref_slice %arg6[%dma_start3A_16, %dma_start3A_17] : memref<1024x16xf32, #tpu.memory_space<vmem>> -> memref<256x16xf32, #tpu.memory_space<vmem>>
    %dma_start3A_19 = arith.constant 512 : i32
    %dma_start3A_20 = tpu.memref_slice %arg5[%dma_start3A_19] : memref<1024xi32, #tpu.memory_space<vmem>> -> memref<256xi32, #tpu.memory_space<vmem>>
    %dma_start3A_21 = arith.constant 0 : i32
    %dma_start3A_22 = arith.constant 0 : i32
    %dma_start3A_23 = tpu.memref_slice %arg2[%dma_start3A_21, %dma_start3A_22] : memref<1000x16xf32, #tpu.memory_space<hbm>> -> memref<1000x16xf32, #tpu.memory_space<hbm>>
    tpu.enqueue_indirect_dma source(%dma_start3A_23 : memref<1000x16xf32, #tpu.memory_space<hbm>>) target(%dma_start3A_18 : memref<256x16xf32, #tpu.memory_space<vmem>>) offsets(%dma_start3A_20 : memref<256xi32, #tpu.memory_space<vmem>>) semaphore(%arg9 : memref<!tpu.dma_semaphore, #tpu.memory_space<semaphore_mem>>)
    %dma_start3A_24 = arith.constant 768 : i32
    %dma_start3A_25 = arith.constant 0 : i32
    %dma_start3A_26 = tpu.memref_slice %arg6[%dma_start3A_24, %dma_start3A_25] : memref<1024x16xf32, #tpu.memory_space<vmem>> -> memref<256x16xf32, #tpu.memory_space<vmem>>
    %dma_start3A_27 = arith.constant 768 : i32
    %dma_start3A_28 = tpu.memref_slice %arg5[%dma_start3A_27] : memref<1024xi32, #tpu.memory_space<vmem>> -> memref<256xi32, #tpu.memory_space<vmem>>
    %dma_start3A_29 = arith.constant 0 : i32
    %dma_start3A_30 = arith.constant 0 : i32
    %dma_start3A_31 = tpu.memref_slice %arg2[%dma_start3A_29, %dma_start3A_30] : memref<1000x16xf32, #tpu.memory_space<hbm>> -> memref<1000x16xf32, #tpu.memory_space<hbm>>
    tpu.enqueue_indirect_dma source(%dma_start3A_31 : memref<1000x16xf32, #tpu.memory_space<hbm>>) target(%dma_start3A_26 : memref<256x16xf32, #tpu.memory_space<vmem>>) offsets(%dma_start3A_28 : memref<256xi32, #tpu.memory_space<vmem>>) semaphore(%arg10 : memref<!tpu.dma_semaphore, #tpu.memory_space<semaphore_mem>>)
    %dma_wait3A = arith.constant 0 : i32
    %dma_wait3A_32 = arith.constant 0 : i32
    %dma_wait3A_33 = tpu.memref_slice %arg6[%dma_wait3A, %dma_wait3A_32] : memref<1024x16xf32, #tpu.memory_space<vmem>> -> memref<256x16xf32, #tpu.memory_space<vmem>>
    %dma_wait3A_34 = arith.constant 0 : i32
    %dma_wait3A_35 = tpu.memref_slice %arg5[%dma_wait3A_34] : memref<1024xi32, #tpu.memory_space<vmem>> -> memref<256xi32, #tpu.memory_space<vmem>>
    %dma_wait3A_36 = arith.constant 0 : i32
    %dma_wait3A_37 = arith.constant 0 : i32
    %dma_wait3A_38 = tpu.memref_slice %arg2[%dma_wait3A_36, %dma_wait3A_37] : memref<1000x16xf32, #tpu.memory_space<hbm>> -> memref<1000x16xf32, #tpu.memory_space<hbm>>
    tpu.wait_indirect_dma semaphore(%arg7 : memref<!tpu.dma_semaphore, #tpu.memory_space<semaphore_mem>>) src(%dma_wait3A_38 : memref<1000x16xf32, #tpu.memory_space<hbm>>) dst(%dma_wait3A_33 : memref<256x16xf32, #tpu.memory_space<vmem>>)
    %add3A = arith.constant 0 : i32
    %add3A_39 = arith.addi %mul3A_0, %add3A : i32
    %dma_start3A_40 = arith.constant 0 : i32
    %dma_start3A_41 = arith.constant 0 : i32
    %dma_start3A_42 = tpu.memref_slice %arg6[%dma_start3A_40, %dma_start3A_41] : memref<1024x16xf32, #tpu.memory_space<vmem>> -> memref<256x16xf32, #tpu.memory_space<vmem>>
    %dma_start3A_43 = arith.constant 0 : i32
    %dma_start3A_44 = tpu.memref_slice %arg4[%add3A_39, %dma_start3A_43] : memref<16384x16xf32, #tpu.memory_space<hbm>> -> memref<256x16xf32, #tpu.memory_space<hbm>>
    %dma_start3A_45 = arith.constant 0 : i32
    %dma_start3A_46 = tpu.memref_slice %arg4[%add3A_39, %dma_start3A_45] : memref<16384x16xf32, #tpu.memory_space<hbm>> -> memref<256x16xf32, #tpu.memory_space<hbm>>
    %dma_start3A_47 = arith.constant 0 : i32
    %dma_start3A_48 = arith.constant 0 : i32
    %dma_start3A_49 = tpu.memref_slice %arg6[%dma_start3A_47, %dma_start3A_48] : memref<1024x16xf32, #tpu.memory_space<vmem>> -> memref<256x16xf32, #tpu.memory_space<vmem>>
    tpu.enqueue_dma source(%dma_start3A_49 : memref<256x16xf32, #tpu.memory_space<vmem>>) target(%dma_start3A_46 : memref<256x16xf32, #tpu.memory_space<hbm>>) target_semaphore(%arg11 : memref<!tpu.dma_semaphore, #tpu.memory_space<semaphore_mem>>)
    %dma_wait3A_50 = arith.constant 256 : i32
    %dma_wait3A_51 = arith.constant 0 : i32
    %dma_wait3A_52 = tpu.memref_slice %arg6[%dma_wait3A_50, %dma_wait3A_51] : memref<1024x16xf32, #tpu.memory_space<vmem>> -> memref<256x16xf32, #tpu.memory_space<vmem>>
    %dma_wait3A_53 = arith.constant 256 : i32
    %dma_wait3A_54 = tpu.memref_slice %arg5[%dma_wait3A_53] : memref<1024xi32, #tpu.memory_space<vmem>> -> memref<256xi32, #tpu.memory_space<vmem>>
    %dma_wait3A_55 = arith.constant 0 : i32
    %dma_wait3A_56 = arith.constant 0 : i32
    %dma_wait3A_57 = tpu.memref_slice %arg2[%dma_wait3A_55, %dma_wait3A_56] : memref<1000x16xf32, #tpu.memory_space<hbm>> -> memref<1000x16xf32, #tpu.memory_space<hbm>>
    tpu.wait_indirect_dma semaphore(%arg8 : memref<!tpu.dma_semaphore, #tpu.memory_space<semaphore_mem>>) src(%dma_wait3A_57 : memref<1000x16xf32, #tpu.memory_space<hbm>>) dst(%dma_wait3A_52 : memref<256x16xf32, #tpu.memory_space<vmem>>)
    %add3A_58 = arith.constant 256 : i32
    %add3A_59 = arith.addi %mul3A_0, %add3A_58 : i32
    %dma_start3A_60 = arith.constant 256 : i32
    %dma_start3A_61 = arith.constant 0 : i32
    %dma_start3A_62 = tpu.memref_slice %arg6[%dma_start3A_60, %dma_start3A_61] : memref<1024x16xf32, #tpu.memory_space<vmem>> -> memref<256x16xf32, #tpu.memory_space<vmem>>
    %dma_start3A_63 = arith.constant 0 : i32
    %dma_start3A_64 = tpu.memref_slice %arg4[%add3A_59, %dma_start3A_63] : memref<16384x16xf32, #tpu.memory_space<hbm>> -> memref<256x16xf32, #tpu.memory_space<hbm>>
    %dma_start3A_65 = arith.constant 0 : i32
    %dma_start3A_66 = tpu.memref_slice %arg4[%add3A_59, %dma_start3A_65] : memref<16384x16xf32, #tpu.memory_space<hbm>> -> memref<256x16xf32, #tpu.memory_space<hbm>>
    %dma_start3A_67 = arith.constant 256 : i32
    %dma_start3A_68 = arith.constant 0 : i32
    %dma_start3A_69 = tpu.memref_slice %arg6[%dma_start3A_67, %dma_start3A_68] : memref<1024x16xf32, #tpu.memory_space<vmem>> -> memref<256x16xf32, #tpu.memory_space<vmem>>
    tpu.enqueue_dma source(%dma_start3A_69 : memref<256x16xf32, #tpu.memory_space<vmem>>) target(%dma_start3A_66 : memref<256x16xf32, #tpu.memory_space<hbm>>) target_semaphore(%arg12 : memref<!tpu.dma_semaphore, #tpu.memory_space<semaphore_mem>>)
    %dma_wait3A_70 = arith.constant 512 : i32
    %dma_wait3A_71 = arith.constant 0 : i32
    %dma_wait3A_72 = tpu.memref_slice %arg6[%dma_wait3A_70, %dma_wait3A_71] : memref<1024x16xf32, #tpu.memory_space<vmem>> -> memref<256x16xf32, #tpu.memory_space<vmem>>
    %dma_wait3A_73 = arith.constant 512 : i32
    %dma_wait3A_74 = tpu.memref_slice %arg5[%dma_wait3A_73] : memref<1024xi32, #tpu.memory_space<vmem>> -> memref<256xi32, #tpu.memory_space<vmem>>
    %dma_wait3A_75 = arith.constant 0 : i32
    %dma_wait3A_76 = arith.constant 0 : i32
    %dma_wait3A_77 = tpu.memref_slice %arg2[%dma_wait3A_75, %dma_wait3A_76] : memref<1000x16xf32, #tpu.memory_space<hbm>> -> memref<1000x16xf32, #tpu.memory_space<hbm>>
    tpu.wait_indirect_dma semaphore(%arg9 : memref<!tpu.dma_semaphore, #tpu.memory_space<semaphore_mem>>) src(%dma_wait3A_77 : memref<1000x16xf32, #tpu.memory_space<hbm>>) dst(%dma_wait3A_72 : memref<256x16xf32, #tpu.memory_space<vmem>>)
    %add3A_78 = arith.constant 512 : i32
    %add3A_79 = arith.addi %mul3A_0, %add3A_78 : i32
    %dma_start3A_80 = arith.constant 512 : i32
    %dma_start3A_81 = arith.constant 0 : i32
    %dma_start3A_82 = tpu.memref_slice %arg6[%dma_start3A_80, %dma_start3A_81] : memref<1024x16xf32, #tpu.memory_space<vmem>> -> memref<256x16xf32, #tpu.memory_space<vmem>>
    %dma_start3A_83 = arith.constant 0 : i32
    %dma_start3A_84 = tpu.memref_slice %arg4[%add3A_79, %dma_start3A_83] : memref<16384x16xf32, #tpu.memory_space<hbm>> -> memref<256x16xf32, #tpu.memory_space<hbm>>
    %dma_start3A_85 = arith.constant 0 : i32
    %dma_start3A_86 = tpu.memref_slice %arg4[%add3A_79, %dma_start3A_85] : memref<16384x16xf32, #tpu.memory_space<hbm>> -> memref<256x16xf32, #tpu.memory_space<hbm>>
    %dma_start3A_87 = arith.constant 512 : i32
    %dma_start3A_88 = arith.constant 0 : i32
    %dma_start3A_89 = tpu.memref_slice %arg6[%dma_start3A_87, %dma_start3A_88] : memref<1024x16xf32, #tpu.memory_space<vmem>> -> memref<256x16xf32, #tpu.memory_space<vmem>>
    tpu.enqueue_dma source(%dma_start3A_89 : memref<256x16xf32, #tpu.memory_space<vmem>>) target(%dma_start3A_86 : memref<256x16xf32, #tpu.memory_space<hbm>>) target_semaphore(%arg13 : memref<!tpu.dma_semaphore, #tpu.memory_space<semaphore_mem>>)
    %dma_wait3A_90 = arith.constant 768 : i32
    %dma_wait3A_91 = arith.constant 0 : i32
    %dma_wait3A_92 = tpu.memref_slice %arg6[%dma_wait3A_90, %dma_wait3A_91] : memref<1024x16xf32, #tpu.memory_space<vmem>> -> memref<256x16xf32, #tpu.memory_space<vmem>>
    %dma_wait3A_93 = arith.constant 768 : i32
    %dma_wait3A_94 = tpu.memref_slice %arg5[%dma_wait3A_93] : memref<1024xi32, #tpu.memory_space<vmem>> -> memref<256xi32, #tpu.memory_space<vmem>>
    %dma_wait3A_95 = arith.constant 0 : i32
    %dma_wait3A_96 = arith.constant 0 : i32
    %dma_wait3A_97 = tpu.memref_slice %arg2[%dma_wait3A_95, %dma_wait3A_96] : memref<1000x16xf32, #tpu.memory_space<hbm>> -> memref<1000x16xf32, #tpu.memory_space<hbm>>
    tpu.wait_indirect_dma semaphore(%arg10 : memref<!tpu.dma_semaphore, #tpu.memory_space<semaphore_mem>>) src(%dma_wait3A_97 : memref<1000x16xf32, #tpu.memory_space<hbm>>) dst(%dma_wait3A_92 : memref<256x16xf32, #tpu.memory_space<vmem>>)
    %add3A_98 = arith.constant 768 : i32
    %add3A_99 = arith.addi %mul3A_0, %add3A_98 : i32
    %dma_start3A_100 = arith.constant 768 : i32
    %dma_start3A_101 = arith.constant 0 : i32
    %dma_start3A_102 = tpu.memref_slice %arg6[%dma_start3A_100, %dma_start3A_101] : memref<1024x16xf32, #tpu.memory_space<vmem>> -> memref<256x16xf32, #tpu.memory_space<vmem>>
    %dma_start3A_103 = arith.constant 0 : i32
    %dma_start3A_104 = tpu.memref_slice %arg4[%add3A_99, %dma_start3A_103] : memref<16384x16xf32, #tpu.memory_space<hbm>> -> memref<256x16xf32, #tpu.memory_space<hbm>>
    %dma_start3A_105 = arith.constant 0 : i32
    %dma_start3A_106 = tpu.memref_slice %arg4[%add3A_99, %dma_start3A_105] : memref<16384x16xf32, #tpu.memory_space<hbm>> -> memref<256x16xf32, #tpu.memory_space<hbm>>
    %dma_start3A_107 = arith.constant 768 : i32
    %dma_start3A_108 = arith.constant 0 : i32
    %dma_start3A_109 = tpu.memref_slice %arg6[%dma_start3A_107, %dma_start3A_108] : memref<1024x16xf32, #tpu.memory_space<vmem>> -> memref<256x16xf32, #tpu.memory_space<vmem>>
    tpu.enqueue_dma source(%dma_start3A_109 : memref<256x16xf32, #tpu.memory_space<vmem>>) target(%dma_start3A_106 : memref<256x16xf32, #tpu.memory_space<hbm>>) target_semaphore(%arg14 : memref<!tpu.dma_semaphore, #tpu.memory_space<semaphore_mem>>)
    %dma_wait3A_110 = arith.constant 0 : i32
    %dma_wait3A_111 = arith.constant 0 : i32
    %dma_wait3A_112 = tpu.memref_slice %arg6[%dma_wait3A_110, %dma_wait3A_111] : memref<1024x16xf32, #tpu.memory_space<vmem>> -> memref<256x16xf32, #tpu.memory_space<vmem>>
    %dma_wait3A_113 = arith.constant 0 : i32
    %dma_wait3A_114 = tpu.memref_slice %arg4[%add3A_39, %dma_wait3A_113] : memref<16384x16xf32, #tpu.memory_space<hbm>> -> memref<256x16xf32, #tpu.memory_space<hbm>>
    %dma_wait3A_115 = arith.constant 0 : i32
    %dma_wait3A_116 = tpu.memref_slice %arg4[%add3A_39, %dma_wait3A_115] : memref<16384x16xf32, #tpu.memory_space<hbm>> -> memref<256x16xf32, #tpu.memory_space<hbm>>
    %dma_wait3A_117 = arith.constant 0 : i32
    %dma_wait3A_118 = arith.constant 0 : i32
    %dma_wait3A_119 = tpu.memref_slice %arg6[%dma_wait3A_117, %dma_wait3A_118] : memref<1024x16xf32, #tpu.memory_space<vmem>> -> memref<256x16xf32, #tpu.memory_space<vmem>>
    tpu.wait_dma2 semaphore(%arg11 : memref<!tpu.dma_semaphore, #tpu.memory_space<semaphore_mem>>) src(%dma_wait3A_119 : memref<256x16xf32, #tpu.memory_space<vmem>>) dst(%dma_wait3A_116 : memref<256x16xf32, #tpu.memory_space<hbm>>)
    %dma_wait3A_120 = arith.constant 256 : i32
    %dma_wait3A_121 = arith.constant 0 : i32
    %dma_wait3A_122 = tpu.memref_slice %arg6[%dma_wait3A_120, %dma_wait3A_121] : memref<1024x16xf32, #tpu.memory_space<vmem>> -> memref<256x16xf32, #tpu.memory_space<vmem>>
    %dma_wait3A_123 = arith.constant 0 : i32
    %dma_wait3A_124 = tpu.memref_slice %arg4[%add3A_59, %dma_wait3A_123] : memref<16384x16xf32, #tpu.memory_space<hbm>> -> memref<256x16xf32, #tpu.memory_space<hbm>>
    %dma_wait3A_125 = arith.constant 0 : i32
    %dma_wait3A_126 = tpu.memref_slice %arg4[%add3A_59, %dma_wait3A_125] : memref<16384x16xf32, #tpu.memory_space<hbm>> -> memref<256x16xf32, #tpu.memory_space<hbm>>
    %dma_wait3A_127 = arith.constant 256 : i32
    %dma_wait3A_128 = arith.constant 0 : i32
    %dma_wait3A_129 = tpu.memref_slice %arg6[%dma_wait3A_127, %dma_wait3A_128] : memref<1024x16xf32, #tpu.memory_space<vmem>> -> memref<256x16xf32, #tpu.memory_space<vmem>>
    tpu.wait_dma2 semaphore(%arg12 : memref<!tpu.dma_semaphore, #tpu.memory_space<semaphore_mem>>) src(%dma_wait3A_129 : memref<256x16xf32, #tpu.memory_space<vmem>>) dst(%dma_wait3A_126 : memref<256x16xf32, #tpu.memory_space<hbm>>)
    %dma_wait3A_130 = arith.constant 512 : i32
    %dma_wait3A_131 = arith.constant 0 : i32
    %dma_wait3A_132 = tpu.memref_slice %arg6[%dma_wait3A_130, %dma_wait3A_131] : memref<1024x16xf32, #tpu.memory_space<vmem>> -> memref<256x16xf32, #tpu.memory_space<vmem>>
    %dma_wait3A_133 = arith.constant 0 : i32
    %dma_wait3A_134 = tpu.memref_slice %arg4[%add3A_79, %dma_wait3A_133] : memref<16384x16xf32, #tpu.memory_space<hbm>> -> memref<256x16xf32, #tpu.memory_space<hbm>>
    %dma_wait3A_135 = arith.constant 0 : i32
    %dma_wait3A_136 = tpu.memref_slice %arg4[%add3A_79, %dma_wait3A_135] : memref<16384x16xf32, #tpu.memory_space<hbm>> -> memref<256x16xf32, #tpu.memory_space<hbm>>
    %dma_wait3A_137 = arith.constant 512 : i32
    %dma_wait3A_138 = arith.constant 0 : i32
    %dma_wait3A_139 = tpu.memref_slice %arg6[%dma_wait3A_137, %dma_wait3A_138] : memref<1024x16xf32, #tpu.memory_space<vmem>> -> memref<256x16xf32, #tpu.memory_space<vmem>>
    tpu.wait_dma2 semaphore(%arg13 : memref<!tpu.dma_semaphore, #tpu.memory_space<semaphore_mem>>) src(%dma_wait3A_139 : memref<256x16xf32, #tpu.memory_space<vmem>>) dst(%dma_wait3A_136 : memref<256x16xf32, #tpu.memory_space<hbm>>)
    %dma_wait3A_140 = arith.constant 768 : i32
    %dma_wait3A_141 = arith.constant 0 : i32
    %dma_wait3A_142 = tpu.memref_slice %arg6[%dma_wait3A_140, %dma_wait3A_141] : memref<1024x16xf32, #tpu.memory_space<vmem>> -> memref<256x16xf32, #tpu.memory_space<vmem>>
    %dma_wait3A_143 = arith.constant 0 : i32
    %dma_wait3A_144 = tpu.memref_slice %arg4[%add3A_99, %dma_wait3A_143] : memref<16384x16xf32, #tpu.memory_space<hbm>> -> memref<256x16xf32, #tpu.memory_space<hbm>>
    %dma_wait3A_145 = arith.constant 0 : i32
    %dma_wait3A_146 = tpu.memref_slice %arg4[%add3A_99, %dma_wait3A_145] : memref<16384x16xf32, #tpu.memory_space<hbm>> -> memref<256x16xf32, #tpu.memory_space<hbm>>
    %dma_wait3A_147 = arith.constant 768 : i32
    %dma_wait3A_148 = arith.constant 0 : i32
    %dma_wait3A_149 = tpu.memref_slice %arg6[%dma_wait3A_147, %dma_wait3A_148] : memref<1024x16xf32, #tpu.memory_space<vmem>> -> memref<256x16xf32, #tpu.memory_space<vmem>>
    tpu.wait_dma2 semaphore(%arg14 : memref<!tpu.dma_semaphore, #tpu.memory_space<semaphore_mem>>) src(%dma_wait3A_149 : memref<256x16xf32, #tpu.memory_space<vmem>>) dst(%dma_wait3A_146 : memref<256x16xf32, #tpu.memory_space<hbm>>)
    return
  }
}

module attributes {stable_mosaic.version = 14 : i64} {
  func.func @body(%arg0: i32, %arg1: memref<8192x16xf32, #tpu.memory_space<vmem>>, %arg2: memref<8192x1xf32, #tpu.memory_space<vmem>>, %arg3: memref<32x9xf32, #tpu.memory_space<vmem>>, %arg4: memref<1x32xf32, #tpu.memory_space<vmem>>, %arg5: memref<16x32xf32, #tpu.memory_space<vmem>>, %arg6: memref<1x16xf32, #tpu.memory_space<vmem>>, %arg7: memref<2x16xf32, #tpu.memory_space<vmem>>, %arg8: memref<1x2xf32, #tpu.memory_space<vmem>>, %arg9: memref<8192x2xf32, #tpu.memory_space<vmem>>) attributes {dimension_semantics = [#tpu.dimension_semantics<arbitrary>], iteration_bounds = array<i64: 2>, scalar_prefetch = 0 : i64, scratch_operands = 0 : i64, tpu.core_type = #tpu.core_type<tc>, window_params = [{transform_indices = @transform_0, window_bounds = array<i64: 8192, 16>}, {transform_indices = @transform_1, window_bounds = array<i64: 8192, 1>}, {pipeline_mode = #tpu.pipeline_mode<synchronous>, transform_indices = @transform_2, window_bounds = array<i64: 32, 9>}, {pipeline_mode = #tpu.pipeline_mode<synchronous>, transform_indices = @transform_3, window_bounds = array<i64: 1, 32>}, {pipeline_mode = #tpu.pipeline_mode<synchronous>, transform_indices = @transform_4, window_bounds = array<i64: 16, 32>}, {pipeline_mode = #tpu.pipeline_mode<synchronous>, transform_indices = @transform_5, window_bounds = array<i64: 1, 16>}, {pipeline_mode = #tpu.pipeline_mode<synchronous>, transform_indices = @transform_6, window_bounds = array<i64: 2, 16>}, {pipeline_mode = #tpu.pipeline_mode<synchronous>, transform_indices = @transform_7, window_bounds = array<i64: 1, 2>}, {transform_indices = @transform_8, window_bounds = array<i64: 8192, 2>}]} {
    %get3A = arith.constant 0 : index
    %get3A_0 = arith.constant 0 : index
    %get3A_1 = vector.load %arg1[%get3A, %get3A_0] : memref<8192x16xf32, #tpu.memory_space<vmem>>, vector<8192x16xf32>
    %get3A_2 = arith.constant 0 : index
    %get3A_3 = arith.constant 0 : index
    %get3A_4 = vector.load %arg3[%get3A_2, %get3A_3] : memref<32x9xf32, #tpu.memory_space<vmem>>, vector<32x9xf32>
    %slice3A = vector.extract_strided_slice %get3A_1 {offsets = [0, 2], sizes = [8192, 8], strides = [1, 1]} : vector<8192x16xf32> to vector<8192x8xf32>
    %convert_element_type3A = arith.truncf %slice3A : vector<8192x8xf32> to vector<8192x8xbf16>
    %slice3A_5 = vector.extract_strided_slice %get3A_4 {offsets = [0, 0], sizes = [32, 8], strides = [1, 1]} : vector<32x9xf32> to vector<32x8xf32>
    %convert_element_type3A_6 = arith.truncf %slice3A_5 : vector<32x8xf32> to vector<32x8xbf16>
    %dot_general3A = arith.constant dense<0.000000e+00> : vector<8192x32xf32>
    %dot_general3A_7 = tpu.matmul %convert_element_type3A, %convert_element_type3A_6, %dot_general3A {dimension_numbers = #tpu.dot_dimension_numbers<[1], [1], [0], [0], [0, 0, 1, 0], [], []>, transpose_lhs_hint = false} : vector<8192x8xbf16>, vector<32x8xbf16>, vector<8192x32xf32> -> vector<8192x32xf32>
    %get3A_8 = arith.constant 0 : index
    %get3A_9 = arith.constant 0 : index
    %get3A_10 = vector.load %arg2[%get3A_8, %get3A_9] : memref<8192x1xf32, #tpu.memory_space<vmem>>, vector<8192x1xf32>
    %slice3A_11 = vector.extract_strided_slice %get3A_4 {offsets = [0, 8], sizes = [32, 1], strides = [1, 1]} : vector<32x9xf32> to vector<32x1xf32>
    %squeeze3A = vector.shape_cast %slice3A_11 : vector<32x1xf32> to vector<32xf32>
    %broadcast_in_dim3A = vector.shape_cast %squeeze3A : vector<32xf32> to vector<1x32xf32>
    %mul3A = vector.broadcast %get3A_10 : vector<8192x1xf32> to vector<8192x32xf32>
    %mul3A_12 = vector.broadcast %broadcast_in_dim3A : vector<1x32xf32> to vector<8192x32xf32>
    %mul3A_13 = arith.mulf %mul3A, %mul3A_12 : vector<8192x32xf32>
    %add3A = arith.addf %dot_general3A_7, %mul3A_13 : vector<8192x32xf32>
    %get3A_14 = arith.constant 0 : index
    %get3A_15 = arith.constant 0 : index
    %get3A_16 = vector.load %arg4[%get3A_14, %get3A_15] : memref<1x32xf32, #tpu.memory_space<vmem>>, vector<1x32xf32>
    %add3A_17 = vector.broadcast %get3A_16 : vector<1x32xf32> to vector<8192x32xf32>
    %add3A_18 = arith.addf %add3A, %add3A_17 : vector<8192x32xf32>
    %max3A = arith.constant 0.000000e+00 : f32
    %max3A_19 = vector.broadcast %max3A : f32 to vector<8192x32xf32>
    %max3A_20 = arith.maximumf %add3A_18, %max3A_19 : vector<8192x32xf32>
    %convert_element_type3A_21 = arith.truncf %max3A_20 : vector<8192x32xf32> to vector<8192x32xbf16>
    %get3A_22 = arith.constant 0 : index
    %get3A_23 = arith.constant 0 : index
    %get3A_24 = vector.load %arg5[%get3A_22, %get3A_23] : memref<16x32xf32, #tpu.memory_space<vmem>>, vector<16x32xf32>
    %convert_element_type3A_25 = arith.truncf %get3A_24 : vector<16x32xf32> to vector<16x32xbf16>
    %dot_general3A_26 = arith.constant dense<0.000000e+00> : vector<8192x16xf32>
    %dot_general3A_27 = tpu.matmul %convert_element_type3A_21, %convert_element_type3A_25, %dot_general3A_26 {dimension_numbers = #tpu.dot_dimension_numbers<[1], [1], [0], [0], [0, 0, 1, 0], [], []>, transpose_lhs_hint = false} : vector<8192x32xbf16>, vector<16x32xbf16>, vector<8192x16xf32> -> vector<8192x16xf32>
    %get3A_28 = arith.constant 0 : index
    %get3A_29 = arith.constant 0 : index
    %get3A_30 = vector.load %arg6[%get3A_28, %get3A_29] : memref<1x16xf32, #tpu.memory_space<vmem>>, vector<1x16xf32>
    %add3A_31 = vector.broadcast %get3A_30 : vector<1x16xf32> to vector<8192x16xf32>
    %add3A_32 = arith.addf %dot_general3A_27, %add3A_31 : vector<8192x16xf32>
    %max3A_33 = arith.constant 0.000000e+00 : f32
    %max3A_34 = vector.broadcast %max3A_33 : f32 to vector<8192x16xf32>
    %max3A_35 = arith.maximumf %add3A_32, %max3A_34 : vector<8192x16xf32>
    %convert_element_type3A_36 = arith.truncf %max3A_35 : vector<8192x16xf32> to vector<8192x16xbf16>
    %get3A_37 = arith.constant 0 : index
    %get3A_38 = arith.constant 0 : index
    %get3A_39 = vector.load %arg7[%get3A_37, %get3A_38] : memref<2x16xf32, #tpu.memory_space<vmem>>, vector<2x16xf32>
    %convert_element_type3A_40 = arith.truncf %get3A_39 : vector<2x16xf32> to vector<2x16xbf16>
    %dot_general3A_41 = arith.constant dense<0.000000e+00> : vector<8192x2xf32>
    %dot_general3A_42 = tpu.matmul %convert_element_type3A_36, %convert_element_type3A_40, %dot_general3A_41 {dimension_numbers = #tpu.dot_dimension_numbers<[1], [1], [0], [0], [0, 0, 1, 0], [], []>, transpose_lhs_hint = false} : vector<8192x16xbf16>, vector<2x16xbf16>, vector<8192x2xf32> -> vector<8192x2xf32>
    %slice3A_43 = vector.extract_strided_slice %get3A_1 {offsets = [0, 0], sizes = [8192, 2], strides = [1, 1]} : vector<8192x16xf32> to vector<8192x2xf32>
    %add3A_44 = arith.addf %slice3A_43, %dot_general3A_42 : vector<8192x2xf32>
    %get3A_45 = arith.constant 0 : index
    %get3A_46 = arith.constant 0 : index
    %get3A_47 = vector.load %arg8[%get3A_45, %get3A_46] : memref<1x2xf32, #tpu.memory_space<vmem>>, vector<1x2xf32>
    %add3A_48 = vector.broadcast %get3A_47 : vector<1x2xf32> to vector<8192x2xf32>
    %add3A_49 = arith.addf %add3A_44, %add3A_48 : vector<8192x2xf32>
    %swap3A = arith.constant 0 : index
    %swap3A_50 = arith.constant 0 : index
    %swap3A_51 = vector.load %arg9[%swap3A, %swap3A_50] : memref<8192x2xf32, #tpu.memory_space<vmem>>, vector<8192x2xf32>
    tpu.vector_store %arg9[%swap3A, %swap3A_50], %add3A_49 {strides = array<i32>} : memref<8192x2xf32, #tpu.memory_space<vmem>>, vector<8192x2xf32>,
    return
  }
  func.func @transform_0(%arg0: i32) -> (i32, i32) {
    %c0_i32 = arith.constant 0 : i32
    %c0_i32_0 = arith.constant 0 : i32
    return %arg0, %c0_i32 : i32, i32
  }
  func.func @transform_1(%arg0: i32) -> (i32, i32) {
    %c0_i32 = arith.constant 0 : i32
    %c0_i32_0 = arith.constant 0 : i32
    return %arg0, %c0_i32 : i32, i32
  }
  func.func @transform_2(%arg0: i32) -> (i32, i32) {
    %c0_i32 = arith.constant 0 : i32
    %c0_i32_0 = arith.constant 0 : i32
    %c0_i32_1 = arith.constant 0 : i32
    return %c0_i32, %c0_i32_0 : i32, i32
  }
  func.func @transform_3(%arg0: i32) -> (i32, i32) {
    %c0_i32 = arith.constant 0 : i32
    %c0_i32_0 = arith.constant 0 : i32
    %c0_i32_1 = arith.constant 0 : i32
    return %c0_i32, %c0_i32_0 : i32, i32
  }
  func.func @transform_4(%arg0: i32) -> (i32, i32) {
    %c0_i32 = arith.constant 0 : i32
    %c0_i32_0 = arith.constant 0 : i32
    %c0_i32_1 = arith.constant 0 : i32
    return %c0_i32, %c0_i32_0 : i32, i32
  }
  func.func @transform_5(%arg0: i32) -> (i32, i32) {
    %c0_i32 = arith.constant 0 : i32
    %c0_i32_0 = arith.constant 0 : i32
    %c0_i32_1 = arith.constant 0 : i32
    return %c0_i32, %c0_i32_0 : i32, i32
  }
  func.func @transform_6(%arg0: i32) -> (i32, i32) {
    %c0_i32 = arith.constant 0 : i32
    %c0_i32_0 = arith.constant 0 : i32
    %c0_i32_1 = arith.constant 0 : i32
    return %c0_i32, %c0_i32_0 : i32, i32
  }
  func.func @transform_7(%arg0: i32) -> (i32, i32) {
    %c0_i32 = arith.constant 0 : i32
    %c0_i32_0 = arith.constant 0 : i32
    %c0_i32_1 = arith.constant 0 : i32
    return %c0_i32, %c0_i32_0 : i32, i32
  }
  func.func @transform_8(%arg0: i32) -> (i32, i32) {
    %c0_i32 = arith.constant 0 : i32
    %c0_i32_0 = arith.constant 0 : i32
    return %arg0, %c0_i32 : i32, i32
  }
}

</mosaic_0001>

<sc_bundles>
// kernel: kernel.4.cloned.1.call-start
scs
__scs_entry_jumppad:
0x0: {  	(pc) =	sbr.rel $0x88, $3  }
0x1: {  	(tag) =	ssettag $0x0;
	lr =	simm.s32 $0x1  }
0x2: {  	[smem:$0x3F96] =	sst lr;
	_ =	strace $0xD0000000  }
0x3: {  	_ = 	snop  }
0x4: {  	_ = 	snop  }
0x5: {  	_ = 	snop  }
0x6: {  	_ = 	snop  }
0x7: {  	_ = 	snop  }
__scs_overlays_trampoline_lowered:
0x8: {  	[smem:$0x3FA5] =	sst s0  }
0x9: {  	[smem:$0x3FA6] =	sst s1  }
0xa: {  	[smem:$0x3FA7] =	sst s2  }
0xb: {  	[smem:$0x3FA8] =	sst s3  }
0xc: {  	[smem:$0x3FA9] =	sst s4  }
0xd: {  	[smem:$0x3FAA] =	sst s5  }
0xe: {  	[smem:$0x3FAB] =	sst s6  }
0xf: {  	[smem:$0x3FAC] =	sst s7  }
0x10: {  	[smem:$0x3FAD] =	sst s8  }
0x11: {  	[smem:$0x3FAE] =	sst s9;
	s0 =	simm.s32 @!p0 $0x0  }
0x12: {  	s1 =	sld [smem:$0x3F94];
	s0 =	simm.s32 @p0 $0x1  }
0x13: {  	[smem:$0x3FAF] =	sst s0;
	s0 =	simm.s32 @!p1 $0x0  }
0x14: {  	s2 =	sld [smem:$0x3F93];
	s0 =	simm.s32 @p1 $0x1  }
0x15: {  	[smem:$0x3FB0] =	sst s0;
	s0 =	simm.s32 @!p2 $0x0  }
0x16: {  	s3 =	sld [smem:$0x3FDB];
	s0 =	simm.s32 @p2 $0x1  }
0x17: {  	s4 =	simm.s32 $0x1BF5;
	[smem:$0x3FB2] =	sst s0  }
0x18: {  	s0 =	sld [smem:$0x3F95];
	_ =	swait.ge [sflag:s4], $0x0  }
0x19: {  	s7 =	sld [smem:$0x3F96]  }
0x1a: {  	s8 =	sadd.s32 $0xFFFFE003, lr  }
0x1b: {  	s9 =	sadd.s32 $0xFFFFFEF7, lr;
	s5 =	simm.s32 $0xFFFFFFFF;
	p2 =	slt.u32 s8, $0xFFFFF086  }
0x1c: {  	p1 =	slt.u32 s9, $0xF7A;
	s5 =	simm.s32 @!p2 $0x0  }
0x1d: {  	s5 =	simm.s32 @p1 $0x1;
	p0 =	seq.s32 s7, s2  }
0x1e: {  	s7 =	smul.u32 @!p0 $0xF7A, s2;
	p2 =	seq.s32 @!p0 s5, $0x0  }
0x1f: {  	s9 =	smul.u32 $0xF7A, s1;
	s8 =	simm.s32 @!p0 $0x1BF5;
	p2 =	por !p2, p0  }
0x20: {  	[sflag:s8] =	ssyncset.s32 @!p0 $0xFFFFF086;
	s6 =	sadd.s32 @!p0 s3, s7;
	s7 =	simm.s32 @!p0 $0x108  }
0x21: {  	s3 =	sadd.s32 s3, s9;
	s6 =	sadd.s32 @!p0 $0x88, s6;
	s7 =	simm.s32 @p2 $0x1082  }
0x22: {  	[simem:s7], [sflag:s8] =	dma.local @!p0 [hbm:s6], $0xF7A  }
0x23: {  	s9 =	sor.u32 $0xD0000000, s2;
	s6 =	simm.s32 $0x108;
	_ =	swait.ge @!p0 [sflag:s8], $0x0  }
0x24: {  	s3 =	sadd.s32 $0x88, s3;
	s6 =	simm.s32 @!p1 $0x1082;
	[sflag:s4] =	ssyncset.s32 $0xFFFFF086  }
0x25: {  	[simem:s6], [sflag:s4] =	dma.local [hbm:s3], $0xF7A  }
0x26: {  	[smem:$0x3F96] =	sst s1;
	(tag) =	ssettag s2;
	_ =	strace s9  }
0x27: {  	s1 =	sld [smem:$0x3FA6]  }
0x28: {  	s2 =	sld [smem:$0x3FA7]  }
0x29: {  	s4 =	sld [smem:$0x3FA9]  }
0x2a: {  	p0 =	seq.s32 s5, $0x0;
	s5 =	sld [smem:$0x3FAA]  }
0x2b: {  	s6 =	sld [smem:$0x3FAB]  }
0x2c: {  	s7 =	sld [smem:$0x3FAC]  }
0x2d: {  	s3 =	simm.s32 $0x108;
	s8 =	sld [smem:$0x3FAD]  }
0x2e: {  	s3 =	simm.s32 @!p0 $0x1082;
	s9 =	sld [smem:$0x3FAE]  }
0x2f: {  	lr =	sadd.s32 s0, s3;
	s0 =	sld [smem:$0x3FA5]  }
0x30: {  	s3 =	sld [smem:$0x3FA8]  }
0x31: {  	[smem:$0x3FB1] =	sst s10  }
0x32: {  	s10 =	sld [smem:$0x3FAF];
	_ =	sdelay $0x3  }
0x33: {  	p0 =	seq.s32 s10, $0x1;
	s10 =	sld [smem:$0x3FB1];
	_ =	sdelay $0x3  }
0x34: {  	[smem:$0x3FB1] =	sst s10  }
0x35: {  	s10 =	sld [smem:$0x3FB0];
	_ =	sdelay $0x3  }
0x36: {  	p1 =	seq.s32 s10, $0x1;
	s10 =	sld [smem:$0x3FB1];
	_ =	sdelay $0x3  }
0x37: {  	[smem:$0x3FB1] =	sst s10  }
0x38: {  	s10 =	sld [smem:$0x3FB2]  }
0x39: {  	_ = 	snop;
	(pc) =	sbr.ind lr, $3  }
0x3a: {  	_ = 	snop  }
0x3b: {  	_ = 	snop  }
0x3c: {  	p2 =	seq.s32 s10, $0x1;
	s10 =	sld [smem:$0x3FB1]  }
0x3d: {  	_ =	shalt  }
0x3e: {  	_ =	shalt  }
0x3f: {  	_ =	shalt  }
0x40: {  	_ =	shalt  }
0x41: {  	_ =	shalt  }
0x42: {  	_ =	shalt  }
0x43: {  	_ =	shalt  }
0x44: {  	_ =	shalt  }
0x45: {  	_ =	shalt  }
0x46: {  	_ =	shalt  }
0x47: {  	_ =	shalt  }
0x48: {  	_ =	shalt  }
0x49: {  	_ =	shalt  }
0x4a: {  	_ =	shalt  }
0x4b: {  	_ =	shalt  }
0x4c: {  	_ =	shalt  }
0x4d: {  	_ =	shalt  }
0x4e: {  	_ =	shalt  }
0x4f: {  	_ =	shalt  }
0x50: {  	_ =	shalt  }
0x51: {  	_ =	shalt  }
0x52: {  	_ =	shalt  }
0x53: {  	_ =	shalt  }
0x54: {  	_ =	shalt  }
0x55: {  	_ =	shalt  }
0x56: {  	_ =	shalt  }
0x57: {  	_ =	shalt  }
0x58: {  	_ =	shalt  }
0x59: {  	_ =	shalt  }
0x5a: {  	_ =	shalt  }
0x5b: {  	_ =	shalt  }
0x5c: {  	_ =	shalt  }
0x5d: {  	_ =	shalt  }
0x5e: {  	_ =	shalt  }
0x5f: {  	_ =	shalt  }
0x60: {  	_ =	shalt  }
0x61: {  	_ =	shalt  }
0x62: {  	_ =	shalt  }
0x63: {  	_ =	shalt  }
0x64: {  	_ =	shalt  }
0x65: {  	_ =	shalt  }
0x66: {  	_ =	shalt  }
0x67: {  	_ =	shalt  }
0x68: {  	_ =	shalt  }
0x69: {  	_ =	shalt  }
0x6a: {  	_ =	shalt  }
0x6b: {  	_ =	shalt  }
0x6c: {  	_ =	shalt  }
0x6d: {  	_ =	shalt  }
0x6e: {  	_ =	shalt  }
0x6f: {  	_ =	shalt  }
0x70: {  	_ =	shalt  }
0x71: {  	_ =	shalt  }
0x72: {  	_ =	shalt  }
0x73: {  	_ =	shalt  }
0x74: {  	_ =	shalt  }
0x75: {  	_ =	shalt  }
0x76: {  	_ =	shalt  }
0x77: {  	_ =	shalt  }
0x78: {  	_ =	shalt  }
0x79: {  	_ =	shalt  }
0x7a: {  	_ =	shalt  }
0x7b: {  	_ =	shalt  }
0x7c: {  	_ =	shalt  }
0x7d: {  	_ =	shalt  }
0x7e: {  	_ =	shalt  }
0x7f: {  	_ =	shalt  }
0x80: {  	_ =	shalt  }
0x81: {  	_ =	shalt  }
0x82: {  	_ =	shalt  }
0x83: {  	_ =	shalt  }
0x84: {  	_ =	shalt  }
0x85: {  	_ =	shalt  }
0x86: {  	_ =	shalt  }
0x87: {  	_ =	shalt  }
.Lfunc_end0:
.L_simem_size_0:
called_computation_lowered:
.L_overlay_start_0:
0x88: {  	s0 =	sld [smem:$0x3FD9]  }
0x89: {  	s1 =	sld [smem:$0x3FFE];
	_ =	sdelay $0x3  }
0x8a: {  	s0 =	sadd.s32 s1, s0  }
0x8b: {  	[smem:$0x3FBD] =	sst s0  }
0x8c: {  	_ = 	snop  }
0x8d: {  	s0 =	sld [smem:$0x3FD0];
	_ =	sdelay $0x2  }
0x8e: {  	s2 =	simm.s32 $0xA;
	s3 =	simm.s32 $0x10;
	s13 =	sld [smem:$0x3FC9]  }
0x8f: {  	[smem:s3], [sflag:s2] =	dma.local [hbm:s0], $0x1  }
0x90: {  	_ =	swait.eq [sflag:s2], $0x1  }
0x91: {  	[sflag:s2] =	ssyncset.done $0x0  }
0x92: {  	[sflag:s2] =	ssyncadd.s32 $0xFFFFFFFF  }
0x93: {  	s14 =	sld [smem:$0x10];
	(tm) =	ssettm $0x1  }
0x94: {  	s15 =	sld [smem:$0x3FFB];
	_ =	sdelay $0x3  }
0x95: {  	_ =	strace s15  }
0x96: {  	s2 =	sld [smem:$0x3FFC];
	_ =	sdelay $0x3  }
0x97: {  	_ =	strace s2  }
0x98: {  	s2 =	sld [smem:$0x3FFD];
	_ =	sdelay $0x3  }
0x99: {  	_ =	strace s2  }
0x9a: {  	_ =	strace $0x8FFFFFFF  }
0x9b: {  	s16 =	sld [smem:$0x3FDB];
	_ =	sdelay $0x1  }
0x9c: {  	s17 =	simm.s32 $_scs_section_size  }
0x9d: {  	s4 =	simm.s32 $_size__tile_overlayer_lowered;
	s5 =	simm.s32 $_tile_overlayer_lowered  }
0x9e: {  	s20 =	simm.s32 $0x1BFF;
	s19 =	sshll.u32 s5, $0x1;
	s2 =	sadd.s32 s17, s16  }
0x9f: {  	s6 =	simm.s32 $0x0;
	s18 =	sshll.u32 s4, $0x1;
	s4 =	sadd.s32 s19, s2  }
0xa0: {  	[timem:s6], [sflag:s20] =	dma.local [hbm:s4], s18  }
0xa1: {  	_ =	swait.ge [sflag:s20], s18  }
0xa2: {  	s3 =	ssub.s32 $0x0, s18;
	[sflag:s20] =	ssyncset.done $0x0  }
0xa3: {  	[sflag:s20] =	ssyncadd.s32 s3;
	_ =	sdelay $0x1  }
0xa4: {  	s21 =	simm.s32 $0x1B8B  }
0xa5: {  	_ =	swait.ge [sflag:s21], $0x1  }
0xa6: {  	[sflag:s21] =	ssyncset.done $0x0  }
0xa7: {  	s23 =	simm.s32 $0x1B8E;
	s22 =	sld [smem:$0x3FFE];
	[sflag:s21] =	ssyncadd.s32 $0xFFFFFFFF  }
0xa8: {  	s24 =	simm.s32 $execute0_lowered;
	[smem:$0x3FD2] =	sst s23  }
0xa9: {  	s4 =	sshll.u32 s24, $0x1;
	_ =	strace $0x80000046;
	[dreg:$0x1] =	wrdreg $0xFFFFFFFF  }
0xaa: {  	s25 =	simm.s32 $_size_execute0_lowered;
	s2 =	sadd.s32 s2, s4;
	[dreg:$0x0] =	wrdreg $0x0  }
0xab: {  	s4 =	sshll.u32 s25, $0x1;
	[dreg:$0x2] =	wrdreg s2  }
0xac: {  	[dreg:$0x3] =	wrdreg s4  }
0xad: {  	[dreg:$0x4] =	wrdreg $0xC0  }
0xae: {  	_ =	task [dreg:s6], $0x5FFFF  }
0xaf: {  	[dreg:$0x1] =	wrdreg $0xFFFFFFFF  }
0xb0: {  	[dreg:$0x0] =	wrdreg $0x60  }
0xb1: {  	[dreg:$0x2] =	wrdreg s14  }
0xb2: {  	[dreg:$0x3] =	wrdreg s13  }
0xb3: {  	[dreg:$0x4] =	wrdreg s22  }
0xb4: {  	[dreg:$0x5] =	wrdreg $0x9  }
0xb5: {  	_ =	task.clear_ibuf [dreg:s6], $0x6FFFF;
	_ =	strace $0x90000046  }
0xb6: {  	s26 =	simm.s32 $0x9;
	_ =	strace $0x80000048  }
0xb7: {  	_ =	swait.ge [sflag:s26], $0x1  }
0xb8: {  	[sflag:s26] =	ssyncadd.s32 $0xFFFFFFFF  }
0xb9: {  	_ =	strace $0x90000048  }
0xba: {  	_ =	sfence  }
0xbb: {  	s28 =	sld [smem:$0x0];
	_ =	sdelay $0x1  }
0xbc: {  	s29 =	srdreg.scid  }
0xbd: {  	s30 =	sshll.u32 s29, $0xD;
	s31 =	sshrl.u32 s29, $0x2  }
0xbe: {  	s1 =	sand.u32 $0x1, s29;
	s2 =	sand.u32 $0x4000, s30;
	s0 =	sadd.s32 s31, s28  }
0xbf: {  	s1 =	sor.u32 s2, s1;
	s0 =	sshll.u32 s0, $0x11  }
0xc0: {  	s0 =	sor.u32 s0, s1  }
0xc1: {  	s0 =	sadd.s32 $0x8F2B, s0  }
0xc2: {  	[sflag:s0] =	ssyncadd.remote.s32 $0x1  }
0xc3: {  	_ =	sfence.sel $0xFFFF  }
0xc4: {  	[dreg:$0x0] =	wrdreg $0xFFFFFFFF;
	(pc) =	sbr.abs _section_cstart, $3  }
0xc5: {  	[dreg:$0x1] =	wrdreg $0xFFFFFFFF  }
0xc6: {  	_ =	task.clear_ibuf [dreg:s6], $0x2FFFF;
	_ =	strace $0x9FFFFFFF  }
0xc7: {  	(tm) =	ssettm $0x7FFFFFFF  }
tec
execute0_lowered:
.L_overlay_start_1:
0x0: {  	(tag) =	ssettag $0x1  }
0x1: {  	s2 =	rddreg [dreg:$0x0]  }
0x2: {  	s3 =	rddreg [dreg:$0x1]  }
0x3: {  	s4 =	rddreg [dreg:$0x2]  }
0x4: {  	s0 =	rddreg [dreg:$0x3];
	s5 =	simm.s32 $0x0;
	s1 =	stileid.u32  }
0x5: {  	[smem:$0x7FF] =	sst s5;
	s6 =	sshll.u32 s1, $0x7  }
0x6: {  	s16 =	simm.s32 $0x9;
	_ =	strace $0x80000047;
	s3 =	sadd.s32 s3, s6  }
0x7: {  	[tilespmem:s5], [sflag:$0x9] =	stream.linear.gather [hbm4b:s3+s5], $0x400, $0x38;
	[tilespmem:$0x4400] =	vst v63  }
0x8: {  	_ =	swait.ge [sflag:s16], $0x400  }
0x9: {  	[sflag:s16] =	ssyncset.done $0x0  }
0xa: {  	s17 =	simm.s32 $0x100;
	s18 =	simm.s32 $0x400;
	[sflag:s16] =	ssyncadd.s32 $0xFFFFFC00  }
0xb: {  	[tilespmem:s18], [sflag:$0x1] =	stream.indirect.gather [hbm4b:s2+s17], $0x10, s5, s17, $0xb8;
	[tilespmem:$0x4400] =	vst v63  }
0xc: {  	s7 =	simm.s32 $0x1400  }
0xd: {  	[tilespmem:s7], [sflag:$0x2] =	stream.indirect.gather [hbm4b:s2+s17], $0x10, s17, s17, $0xb8;
	[tilespmem:$0x4400] =	vst v63  }
0xe: {  	s8 =	simm.s32 $0x200;
	s9 =	simm.s32 $0x2400  }
0xf: {  	[tilespmem:s9], [sflag:$0x3] =	stream.indirect.gather [hbm4b:s2+s17], $0x10, s8, s17, $0xb8;
	[tilespmem:$0x4400] =	vst v63  }
0x10: {  	s19 =	simm.s32 $0x300;
	s10 =	simm.s32 $0x3400;
	s20 =	simm.s32 $0x1  }
0x11: {  	[tilespmem:s10], [sflag:$0x4] =	stream.indirect.gather [hbm4b:s2+s17], $0x10, s19, s17, $0xb8;
	[tilespmem:$0x4400] =	vst v63  }
0x12: {  	s21 =	sshll.u32 s1, $0xB;
	_ =	swait.ge [sflag:s20], $0x1000  }
0x13: {  	s3 =	sadd.s32 s21, s4;
	[sflag:s20] =	ssyncset.done $0x0  }
0x14: {  	s22 =	simm.s32 $0x2;
	s4 =	sadd.s32 $0x1000, s3;
	[sflag:s20] =	ssyncadd.s32 $0xFFFFF000  }
0x15: {  	[hbm4b:s4+s5] =	stream.linear.scatter [tilespmem:s18], [sflag:$0x5], $0x1000, $0x38;
	[tilespmem:$0x4400] =	vst v63  }
0x16: {  	_ =	swait.ge [sflag:s22], $0x1000  }
0x17: {  	[sflag:s22] =	ssyncset.done $0x0  }
0x18: {  	s24 =	simm.s32 $0x3;
	s23 =	sadd.s32 $0x1200, s3;
	[sflag:s22] =	ssyncadd.s32 $0xFFFFF000  }
0x19: {  	[hbm4b:s23+s5] =	stream.linear.scatter [tilespmem:s7], [sflag:$0x6], $0x1000, $0x38;
	[tilespmem:$0x4400] =	vst v63  }
0x1a: {  	_ =	swait.ge [sflag:s24], $0x1000  }
0x1b: {  	[sflag:s24] =	ssyncset.done $0x0  }
0x1c: {  	s26 =	simm.s32 $0x4;
	s25 =	sadd.s32 $0x1400, s3;
	[sflag:s24] =	ssyncadd.s32 $0xFFFFF000  }
0x1d: {  	[hbm4b:s25+s5] =	stream.linear.scatter [tilespmem:s9], [sflag:$0x7], $0x1000, $0x38;
	[tilespmem:$0x4400] =	vst v63  }
0x1e: {  	_ =	swait.ge [sflag:s26], $0x1000  }
0x1f: {  	[sflag:s26] =	ssyncset.done $0x0  }
0x20: {  	s28 =	simm.s32 $0x5;
	s3 =	sadd.s32 $0x1600, s3;
	[sflag:s26] =	ssyncadd.s32 $0xFFFFF000  }
0x21: {  	[hbm4b:s3+s5] =	stream.linear.scatter [tilespmem:s10], [sflag:$0x8], $0x1000, $0x38;
	[tilespmem:$0x4400] =	vst v63  }
0x22: {  	_ =	swait.ge [sflag:s28], $0x1000  }
0x23: {  	[sflag:s28] =	ssyncset.done $0x0  }
0x24: {  	s29 =	simm.s32 $0x6;
	[sflag:s28] =	ssyncadd.s32 $0xFFFFF000  }
0x25: {  	_ =	swait.ge [sflag:s29], $0x1000  }
0x26: {  	[sflag:s29] =	ssyncset.done $0x0  }
0x27: {  	s30 =	simm.s32 $0x7;
	[sflag:s29] =	ssyncadd.s32 $0xFFFFF000  }
0x28: {  	_ =	swait.ge [sflag:s30], $0x1000  }
0x29: {  	[sflag:s30] =	ssyncset.done $0x0  }
0x2a: {  	s31 =	simm.s32 $0x8;
	[sflag:s30] =	ssyncadd.s32 $0xFFFFF000  }
0x2b: {  	_ =	swait.ge [sflag:s31], $0x1000  }
0x2c: {  	[sflag:s31] =	ssyncset.done $0x0  }
0x2d: {  	[sflag:s31] =	ssyncadd.s32 $0xFFFFF000  }
0x2e: {  	_ =	sfence.sel $0x180000  }
0x2f: {  	[bflag:$0x0] =	sbarrier.arrive $0xFFFF  }
0x30: {  	p0 =	sne.s32 s1, $0x0;
	_ =	strace $0x90000047  }
0x31: {  	s0 =	sadd.s32 @!p0 $0x100000, s0;
	[bflag:$0x2] =	sbarrier.arrive $0xFFFF  }
0x32: {  	[sflag:s0] =	ssyncadd.tile.s32 @!p0 $0x1;
	_ =	shalt  }
.Lfunc_end2:
_tile_overlayer_lowered:
.L_overlay_start_2:
0x33: {  	(tag) =	ssettag $0x2  }
0x34: {  	s0 =	rddreg [dreg:$0x0];
	s2 =	stileid.u32  }
0x35: {  	s1 =	rddreg [dreg:$0x1];
	p0 =	sne.s32 s2, $0x0  }
0x36: {  	s3 =	rddreg [dreg:$0x2];
	[bflag:$0x3] =	sbarrier.arrive $0xFFFF;
	s2 =	simm.s32 @!p0 $0x1C09  }
0x37: {  	[timem:s3], [sflag:s2] =	dma.local @!p0 [hbm:s0], s1  }
0x38: {  	s0 =	simm.s32 @!p0 $0x9  }
0x39: {  	_ =	swait.ge @!p0 [sflag:s0], s1  }
0x3a: {  	s1 =	ssub.s32 @!p0 $0x0, s1;
	[sflag:s0] =	ssyncset.done @!p0 $0x0  }
0x3b: {  	[sflag:s0] =	ssyncadd.s32 @!p0 s1  }
0x3c: {  	[bflag:$0x3] =	sbarrier.arrive $0xFFFF  }
0x3d: {  	_ =	shalt  }

</sc_bundles>
